<compile_context>
chip_gen: v7x
topology: tpu7x:2x2x1
jax: 0.10.2.dev20260603
libtpu: 0.0.44.dev20260713+nightly
codegen_flags: <defaults>
</compile_context>

<pallas_src>
import functools
import jax
import jax.numpy as jnp
from jax import lax
from jax.experimental import pallas as pl
from jax.experimental.pallas import tpu as pltpu
from jax.experimental.pallas import tpu_sc as plsc

_R = 8192


def _tc_dense_body(logits_ref, t_ref, y_ref, wg_ref, out_ref):
    x = logits_ref[...]
    t = t_ref[0, 0, :]
    yv = y_ref[0, 0, :]
    wg = wg_ref[0, 0, :]
    sel = lax.broadcasted_iota(jnp.int32, x.shape, 0) == t[None, :]
    s = jnp.sum(jnp.exp(x), axis=0)
    g = jnp.sum(jnp.where(sel, x, 0.0), axis=0)
    nll = jnp.log(s * wg) - g
    out_ref[0, 0, :] = jnp.where(jnp.isnan(yv), 0.0, nll)


def _sc_body(nbars, chunk, nc, y_hbm, borders_hbm, t_hbm, wg_hbm,
             y_v, borders_v, t_v, wg_v):
    wid = lax.axis_index("s") * nc + lax.axis_index("c")
    base = wid * chunk
    pltpu.sync_copy(y_hbm.at[pl.ds(base, chunk)], y_v)
    pltpu.sync_copy(borders_hbm, borders_v.at[pl.ds(0, nbars + 1)])

    def body(i, carry):
        yv = y_v[pl.ds(i * 16, 16)]
        lo = jnp.zeros((16,), jnp.int32)
        hi = jnp.full((16,), nbars + 1, jnp.int32)
        for _ in range(7):
            mid = jnp.minimum(lax.shift_right_logical(lo + hi, 1), nbars)
            b = plsc.load_gather(borders_v, [mid])
            p = b < yv
            lo = jnp.where(p, mid + 1, lo)
            hi = jnp.where(p, hi, mid)
        t = jnp.clip(lo - 1, 0, nbars - 1)
        blo = plsc.load_gather(borders_v, [t])
        bhi = plsc.load_gather(borders_v, [t + 1])
        wg_v[pl.ds(i * 16, 16)] = bhi - blo
        t_v[pl.ds(i * 16, 16)] = t
        return carry

    lax.fori_loop(0, chunk // 16, body, 0)
    pltpu.sync_copy(t_v, t_hbm.at[wid])
    pltpu.sync_copy(wg_v, wg_hbm.at[wid])


def kernel(logits, y, borders):
    B, T, K = logits.shape
    N = B * T
    info = plsc.get_sparse_core_info()
    NC, NS = info.num_cores, info.num_subcores
    NW = NC * NS
    chunk = N // NW
    yf = y.reshape(N)
    mesh = plsc.VectorSubcoreMesh(core_axis_name="c", subcore_axis_name="s")
    sc = pl.kernel(
        functools.partial(_sc_body, K, chunk, NC),
        out_type=(jax.ShapeDtypeStruct((NW, chunk), jnp.int32),
                  jax.ShapeDtypeStruct((NW, chunk), jnp.float32)),
        mesh=mesh,
        compiler_params=pltpu.CompilerParams(needs_layout_passes=False,
                                             use_tc_tiling_on_sc=False),
        scratch_types=[
            pltpu.VMEM((chunk,), jnp.float32),
            pltpu.VMEM((128,), jnp.float32),
            pltpu.VMEM((chunk,), jnp.int32),
            pltpu.VMEM((chunk,), jnp.float32),
        ],
    )
    t, wg = sc(yf, borders)

    nb = N // _R
    t3 = t.reshape(nb, 1, _R)
    wg3 = wg.reshape(nb, 1, _R)
    y3 = y.reshape(nb, 1, _R)
    xt = logits.transpose(2, 0, 1).reshape(K, N)
    out = pl.pallas_call(
        _tc_dense_body,
        grid=(nb,),
        in_specs=[pl.BlockSpec((K, _R), lambda i: (0, i)),
                  pl.BlockSpec((1, 1, _R), lambda i: (i, 0, 0)),
                  pl.BlockSpec((1, 1, _R), lambda i: (i, 0, 0)),
                  pl.BlockSpec((1, 1, _R), lambda i: (i, 0, 0))],
        out_specs=pl.BlockSpec((1, 1, _R), lambda i: (i, 0, 0)),
        out_shape=jax.ShapeDtypeStruct((nb, 1, _R), jnp.float32),
    )(xt, t3, y3, wg3)
    return out.reshape(B, T)

# --- scband reference (transcript-rebuilt; emitter-appended) ---
"""Pipeline reference for scband-bar-distribution-14181982012109 (READ-ONLY COPY).

The authoritative reference and input builder live on the scoring server;
editing this copy changes nothing except your own understanding.
"""

import jax, jax.numpy as jnp
import numpy as np


def setup_inputs(seed: int = 0) -> dict:
    key = jax.random.key(seed)
    k1, k2 = jax.random.split(key)
    logits = jax.random.normal(k1, (4, 8192, 100), dtype=jnp.float32)
    y = jax.random.uniform(k2, (4, 8192), dtype=jnp.float32)
    borders = (jnp.arange(0, 101, dtype=jnp.float32) / 100.0).astype(jnp.float32)
    return {"logits": logits, "y": y, "borders": borders}


def reference(logits, y, borders):
    num_bars = borders.shape[0] - 1
    bucket_widths = borders[1:] - borders[:-1]
    # y = y.clone().view(*logits.shape[:-1])
    y = y.reshape(logits.shape[:-1])
    # ignore_init: nan targets -> borders[0], masked out of the loss
    ignore_loss_mask = jnp.isnan(y)
    y = jnp.where(ignore_loss_mask, borders[0], y)
    # map_to_bucket_idx: searchsorted(borders, y) - 1 with edge fixes
    target_sample = jnp.searchsorted(borders, y, side='left') - 1
    target_sample = jnp.where(y == borders[0], 0, target_sample)
    target_sample = jnp.where(y == borders[-1], num_bars - 1, target_sample)
    # compute_scaled_log_probs
    bucket_log_probs = jax.nn.log_softmax(logits, axis=-1)
    scaled_bucket_log_probs = bucket_log_probs - jnp.log(bucket_widths)
    # nll = -scaled.gather(-1, target[..., None]).squeeze(-1)
    nll_loss = -jnp.take_along_axis(scaled_bucket_log_probs, target_sample[..., None], axis=-1)[..., 0]
    nll_loss = jnp.where(ignore_loss_mask, 0.0, nll_loss)
    return nll_loss

if __name__ == "__main__":
    import jax
    _d = setup_inputs()
    print(jax.jit(kernel)(*tuple(_d.values())))

</pallas_src>

<mosaic_0001>
#map = affine_map<(d0, d1) -> (0)>
#map1 = affine_map<(d0, d1) -> (0, 0)>
module attributes {stable_mosaic.version = 14 : i64} {
  func.func @_sc_body(%arg0: i32, %arg1: i32, %arg2: memref<32768xf32, #tpu.memory_space<hbm>>, %arg3: memref<101xf32, #tpu.memory_space<hbm>>, %arg4: memref<32x1024xi32, #tpu.memory_space<hbm>>, %arg5: memref<32x1024xf32, #tpu.memory_space<hbm>>, %arg6: memref<1024xf32, #tpu.memory_space<vmem>>, %arg7: memref<128xf32, #tpu.memory_space<vmem>>, %arg8: memref<1024xi32, #tpu.memory_space<vmem>>, %arg9: memref<1024xf32, #tpu.memory_space<vmem>>) attributes {dimension_semantics = [#tpu.dimension_semantics<core_parallel>, #tpu.dimension_semantics<subcore_parallel>], iteration_bounds = array<i64: 2, 16>, scalar_prefetch = 0 : i64, scratch_operands = 4 : i64, tpu.core_type = #tpu.core_type<sc_vector_subcore>, window_params = [{transform_indices = #map}, {transform_indices = #map}, {transform_indices = #map1}, {transform_indices = #map1}]} {
    %mul3A = arith.constant 2 : i32
    %mul3A_0 = arith.muli %arg1, %mul3A : i32
    %add3A = arith.addi %mul3A_0, %arg0 : i32
    %mul3A_1 = arith.constant 1024 : i32
    %mul3A_2 = arith.muli %add3A, %mul3A_1 : i32
    "tpu.region"() ({
      %run_scoped3A = tpu.sem_alloc : memref<!tpu.dma_semaphore, #tpu.memory_space<semaphore_mem>>
      %dma_start3A = tpu.memref_slice %arg2[%mul3A_2] : memref<32768xf32, #tpu.memory_space<hbm>> -> memref<1024xf32, #tpu.memory_space<hbm>>
      %dma_start3A_8 = tpu.memref_slice %arg2[%mul3A_2] : memref<32768xf32, #tpu.memory_space<hbm>> -> memref<1024xf32, #tpu.memory_space<hbm>>
      tpu.enqueue_dma source(%dma_start3A_8 : memref<1024xf32, #tpu.memory_space<hbm>>) target(%arg6 : memref<1024xf32, #tpu.memory_space<vmem>>) target_semaphore(%run_scoped3A : memref<!tpu.dma_semaphore, #tpu.memory_space<semaphore_mem>>)
      %dma_wait3A = tpu.memref_slice %arg2[%mul3A_2] : memref<32768xf32, #tpu.memory_space<hbm>> -> memref<1024xf32, #tpu.memory_space<hbm>>
      %dma_wait3A_9 = tpu.memref_slice %arg2[%mul3A_2] : memref<32768xf32, #tpu.memory_space<hbm>> -> memref<1024xf32, #tpu.memory_space<hbm>>
      tpu.wait_dma2 semaphore(%run_scoped3A : memref<!tpu.dma_semaphore, #tpu.memory_space<semaphore_mem>>) src(%dma_wait3A_9 : memref<1024xf32, #tpu.memory_space<hbm>>) dst(%arg6 : memref<1024xf32, #tpu.memory_space<vmem>>)
      tpu.yield
    }) : () -> ()
    "tpu.region"() ({
      %run_scoped3A = tpu.sem_alloc : memref<!tpu.dma_semaphore, #tpu.memory_space<semaphore_mem>>
      %dma_start3A = arith.constant 0 : i32
      %dma_start3A_8 = tpu.memref_slice %arg7[%dma_start3A] : memref<128xf32, #tpu.memory_space<vmem>> -> memref<101xf32, #tpu.memory_space<vmem>>
      %dma_start3A_9 = arith.constant 0 : i32
      %dma_start3A_10 = tpu.memref_slice %arg7[%dma_start3A_9] : memref<128xf32, #tpu.memory_space<vmem>> -> memref<101xf32, #tpu.memory_space<vmem>>
      tpu.enqueue_dma source(%arg3 : memref<101xf32, #tpu.memory_space<hbm>>) target(%dma_start3A_10 : memref<101xf32, #tpu.memory_space<vmem>>) target_semaphore(%run_scoped3A : memref<!tpu.dma_semaphore, #tpu.memory_space<semaphore_mem>>)
      %dma_wait3A = arith.constant 0 : i32
      %dma_wait3A_11 = tpu.memref_slice %arg7[%dma_wait3A] : memref<128xf32, #tpu.memory_space<vmem>> -> memref<101xf32, #tpu.memory_space<vmem>>
      %dma_wait3A_12 = arith.constant 0 : i32
      %dma_wait3A_13 = tpu.memref_slice %arg7[%dma_wait3A_12] : memref<128xf32, #tpu.memory_space<vmem>> -> memref<101xf32, #tpu.memory_space<vmem>>
      tpu.wait_dma2 semaphore(%run_scoped3A : memref<!tpu.dma_semaphore, #tpu.memory_space<semaphore_mem>>) src(%arg3 : memref<101xf32, #tpu.memory_space<hbm>>) dst(%dma_wait3A_13 : memref<101xf32, #tpu.memory_space<vmem>>)
      tpu.yield
    }) : () -> ()
    %scan3A = arith.constant 0 : i32
    %scan3A_3 = arith.constant 0 : i32
    %scan3A_4 = arith.constant 64 : i32
    %scan3A_5 = arith.addi %scan3A_3, %scan3A_4 : i32
    %scan3A_6 = arith.constant 1 : i32
    scf.for %scan3A_8 = %scan3A_3 to %scan3A_5 step %scan3A_6  : i32 {
      %mul3A_9 = arith.constant 16 : i32
      %mul3A_10 = arith.muli %scan3A_8, %mul3A_9 : i32
      %get3A = arith.index_cast %mul3A_10 : i32 to index
      %get3A_11 = tpu.vector_load %arg6[%get3A] {strides = array<i32>} : memref<1024xf32, #tpu.memory_space<vmem>>, vector<16xf32>,
      %broadcast_in_dim3A = arith.constant 0 : i32
      %broadcast_in_dim3A_12 = vector.broadcast %broadcast_in_dim3A : i32 to vector<16xi32>
      %broadcast_in_dim3A_13 = arith.constant 101 : i32
      %broadcast_in_dim3A_14 = vector.broadcast %broadcast_in_dim3A_13 : i32 to vector<16xi32>
      %add3A_15 = arith.addi %broadcast_in_dim3A_12, %broadcast_in_dim3A_14 : vector<16xi32>
      %shift_right_logical3A = arith.constant 1 : i32
      %shift_right_logical3A_16 = vector.broadcast %shift_right_logical3A : i32 to vector<16xi32>
      %shift_right_logical3A_17 = arith.shrui %add3A_15, %shift_right_logical3A_16 : vector<16xi32>
      %min3A = arith.constant 100 : i32
      %min3A_18 = vector.broadcast %min3A : i32 to vector<16xi32>
      %min3A_19 = arith.minsi %shift_right_logical3A_17, %min3A_18 : vector<16xi32>
      %gather3A = tpu.vector_load_idx %arg7[%min3A_19] : memref<128xf32, #tpu.memory_space<vmem>>[vector<16xi32>], vector<16xf32>,
      %lt3A = arith.cmpf olt, %gather3A, %get3A_11 : vector<16xf32>
      %add3A_20 = arith.constant 1 : i32
      %add3A_21 = vector.broadcast %add3A_20 : i32 to vector<16xi32>
      %add3A_22 = arith.addi %min3A_19, %add3A_21 : vector<16xi32>
      %select_n3A = arith.select %lt3A, %add3A_22, %broadcast_in_dim3A_12 : vector<16xi1>, vector<16xi32>
      %select_n3A_23 = arith.select %lt3A, %broadcast_in_dim3A_14, %min3A_19 : vector<16xi1>, vector<16xi32>
      %add3A_24 = arith.addi %select_n3A, %select_n3A_23 : vector<16xi32>
      %shift_right_logical3A_25 = arith.constant 1 : i32
      %shift_right_logical3A_26 = vector.broadcast %shift_right_logical3A_25 : i32 to vector<16xi32>
      %shift_right_logical3A_27 = arith.shrui %add3A_24, %shift_right_logical3A_26 : vector<16xi32>
      %min3A_28 = arith.constant 100 : i32
      %min3A_29 = vector.broadcast %min3A_28 : i32 to vector<16xi32>
      %min3A_30 = arith.minsi %shift_right_logical3A_27, %min3A_29 : vector<16xi32>
      %gather3A_31 = tpu.vector_load_idx %arg7[%min3A_30] : memref<128xf32, #tpu.memory_space<vmem>>[vector<16xi32>], vector<16xf32>,
      %lt3A_32 = arith.cmpf olt, %gather3A_31, %get3A_11 : vector<16xf32>
      %add3A_33 = arith.constant 1 : i32
      %add3A_34 = vector.broadcast %add3A_33 : i32 to vector<16xi32>
      %add3A_35 = arith.addi %min3A_30, %add3A_34 : vector<16xi32>
      %select_n3A_36 = arith.select %lt3A_32, %add3A_35, %select_n3A : vector<16xi1>, vector<16xi32>
      %select_n3A_37 = arith.select %lt3A_32, %select_n3A_23, %min3A_30 : vector<16xi1>, vector<16xi32>
      %add3A_38 = arith.addi %select_n3A_36, %select_n3A_37 : vector<16xi32>
      %shift_right_logical3A_39 = arith.constant 1 : i32
      %shift_right_logical3A_40 = vector.broadcast %shift_right_logical3A_39 : i32 to vector<16xi32>
      %shift_right_logical3A_41 = arith.shrui %add3A_38, %shift_right_logical3A_40 : vector<16xi32>
      %min3A_42 = arith.constant 100 : i32
      %min3A_43 = vector.broadcast %min3A_42 : i32 to vector<16xi32>
      %min3A_44 = arith.minsi %shift_right_logical3A_41, %min3A_43 : vector<16xi32>
      %gather3A_45 = tpu.vector_load_idx %arg7[%min3A_44] : memref<128xf32, #tpu.memory_space<vmem>>[vector<16xi32>], vector<16xf32>,
      %lt3A_46 = arith.cmpf olt, %gather3A_45, %get3A_11 : vector<16xf32>
      %add3A_47 = arith.constant 1 : i32
      %add3A_48 = vector.broadcast %add3A_47 : i32 to vector<16xi32>
      %add3A_49 = arith.addi %min3A_44, %add3A_48 : vector<16xi32>
      %select_n3A_50 = arith.select %lt3A_46, %add3A_49, %select_n3A_36 : vector<16xi1>, vector<16xi32>
      %select_n3A_51 = arith.select %lt3A_46, %select_n3A_37, %min3A_44 : vector<16xi1>, vector<16xi32>
      %add3A_52 = arith.addi %select_n3A_50, %select_n3A_51 : vector<16xi32>
      %shift_right_logical3A_53 = arith.constant 1 : i32
      %shift_right_logical3A_54 = vector.broadcast %shift_right_logical3A_53 : i32 to vector<16xi32>
      %shift_right_logical3A_55 = arith.shrui %add3A_52, %shift_right_logical3A_54 : vector<16xi32>
      %min3A_56 = arith.constant 100 : i32
      %min3A_57 = vector.broadcast %min3A_56 : i32 to vector<16xi32>
      %min3A_58 = arith.minsi %shift_right_logical3A_55, %min3A_57 : vector<16xi32>
      %gather3A_59 = tpu.vector_load_idx %arg7[%min3A_58] : memref<128xf32, #tpu.memory_space<vmem>>[vector<16xi32>], vector<16xf32>,
      %lt3A_60 = arith.cmpf olt, %gather3A_59, %get3A_11 : vector<16xf32>
      %add3A_61 = arith.constant 1 : i32
      %add3A_62 = vector.broadcast %add3A_61 : i32 to vector<16xi32>
      %add3A_63 = arith.addi %min3A_58, %add3A_62 : vector<16xi32>
      %select_n3A_64 = arith.select %lt3A_60, %add3A_63, %select_n3A_50 : vector<16xi1>, vector<16xi32>
      %select_n3A_65 = arith.select %lt3A_60, %select_n3A_51, %min3A_58 : vector<16xi1>, vector<16xi32>
      %add3A_66 = arith.addi %select_n3A_64, %select_n3A_65 : vector<16xi32>
      %shift_right_logical3A_67 = arith.constant 1 : i32
      %shift_right_logical3A_68 = vector.broadcast %shift_right_logical3A_67 : i32 to vector<16xi32>
      %shift_right_logical3A_69 = arith.shrui %add3A_66, %shift_right_logical3A_68 : vector<16xi32>
      %min3A_70 = arith.constant 100 : i32
      %min3A_71 = vector.broadcast %min3A_70 : i32 to vector<16xi32>
      %min3A_72 = arith.minsi %shift_right_logical3A_69, %min3A_71 : vector<16xi32>
      %gather3A_73 = tpu.vector_load_idx %arg7[%min3A_72] : memref<128xf32, #tpu.memory_space<vmem>>[vector<16xi32>], vector<16xf32>,
      %lt3A_74 = arith.cmpf olt, %gather3A_73, %get3A_11 : vector<16xf32>
      %add3A_75 = arith.constant 1 : i32
      %add3A_76 = vector.broadcast %add3A_75 : i32 to vector<16xi32>
      %add3A_77 = arith.addi %min3A_72, %add3A_76 : vector<16xi32>
      %select_n3A_78 = arith.select %lt3A_74, %add3A_77, %select_n3A_64 : vector<16xi1>, vector<16xi32>
      %select_n3A_79 = arith.select %lt3A_74, %select_n3A_65, %min3A_72 : vector<16xi1>, vector<16xi32>
      %add3A_80 = arith.addi %select_n3A_78, %select_n3A_79 : vector<16xi32>
      %shift_right_logical3A_81 = arith.constant 1 : i32
      %shift_right_logical3A_82 = vector.broadcast %shift_right_logical3A_81 : i32 to vector<16xi32>
      %shift_right_logical3A_83 = arith.shrui %add3A_80, %shift_right_logical3A_82 : vector<16xi32>
      %min3A_84 = arith.constant 100 : i32
      %min3A_85 = vector.broadcast %min3A_84 : i32 to vector<16xi32>
      %min3A_86 = arith.minsi %shift_right_logical3A_83, %min3A_85 : vector<16xi32>
      %gather3A_87 = tpu.vector_load_idx %arg7[%min3A_86] : memref<128xf32, #tpu.memory_space<vmem>>[vector<16xi32>], vector<16xf32>,
      %lt3A_88 = arith.cmpf olt, %gather3A_87, %get3A_11 : vector<16xf32>
      %add3A_89 = arith.constant 1 : i32
      %add3A_90 = vector.broadcast %add3A_89 : i32 to vector<16xi32>
      %add3A_91 = arith.addi %min3A_86, %add3A_90 : vector<16xi32>
      %select_n3A_92 = arith.select %lt3A_88, %add3A_91, %select_n3A_78 : vector<16xi1>, vector<16xi32>
      %select_n3A_93 = arith.select %lt3A_88, %select_n3A_79, %min3A_86 : vector<16xi1>, vector<16xi32>
      %add3A_94 = arith.addi %select_n3A_92, %select_n3A_93 : vector<16xi32>
      %shift_right_logical3A_95 = arith.constant 1 : i32
      %shift_right_logical3A_96 = vector.broadcast %shift_right_logical3A_95 : i32 to vector<16xi32>
      %shift_right_logical3A_97 = arith.shrui %add3A_94, %shift_right_logical3A_96 : vector<16xi32>
      %min3A_98 = arith.constant 100 : i32
      %min3A_99 = vector.broadcast %min3A_98 : i32 to vector<16xi32>
      %min3A_100 = arith.minsi %shift_right_logical3A_97, %min3A_99 : vector<16xi32>
      %gather3A_101 = tpu.vector_load_idx %arg7[%min3A_100] : memref<128xf32, #tpu.memory_space<vmem>>[vector<16xi32>], vector<16xf32>,
      %lt3A_102 = arith.cmpf olt, %gather3A_101, %get3A_11 : vector<16xf32>
      %add3A_103 = arith.constant 1 : i32
      %add3A_104 = vector.broadcast %add3A_103 : i32 to vector<16xi32>
      %add3A_105 = arith.addi %min3A_100, %add3A_104 : vector<16xi32>
      %select_n3A_106 = arith.select %lt3A_102, %add3A_105, %select_n3A_92 : vector<16xi1>, vector<16xi32>
      %select_n3A_107 = arith.select %lt3A_102, %select_n3A_93, %min3A_100 : vector<16xi1>, vector<16xi32>
      %sub3A = arith.constant 1 : i32
      %sub3A_108 = vector.broadcast %sub3A : i32 to vector<16xi32>
      %sub3A_109 = arith.subi %select_n3A_106, %sub3A_108 : vector<16xi32>
      %jit3A = arith.constant 0 : i32
      %jit3A_110 = arith.constant 99 : i32
      %max3A = vector.broadcast %jit3A : i32 to vector<16xi32>
      %max3A_111 = arith.maxsi %max3A, %sub3A_109 : vector<16xi32>
      %min3A_112 = vector.broadcast %jit3A_110 : i32 to vector<16xi32>
      %min3A_113 = arith.minsi %min3A_112, %max3A_111 : vector<16xi32>
      %gather3A_114 = tpu.vector_load_idx %arg7[%min3A_113] : memref<128xf32, #tpu.memory_space<vmem>>[vector<16xi32>], vector<16xf32>,
      %add3A_115 = arith.constant 1 : i32
      %add3A_116 = vector.broadcast %add3A_115 : i32 to vector<16xi32>
      %add3A_117 = arith.addi %min3A_113, %add3A_116 : vector<16xi32>
      %gather3A_118 = tpu.vector_load_idx %arg7[%add3A_117] : memref<128xf32, #tpu.memory_space<vmem>>[vector<16xi32>], vector<16xf32>,
      %sub3A_119 = arith.subf %gather3A_118, %gather3A_114 : vector<16xf32>
      %mul3A_120 = arith.constant 16 : i32
      %mul3A_121 = arith.muli %scan3A_8, %mul3A_120 : i32
      %swap3A = arith.index_cast %mul3A_121 : i32 to index
      %swap3A_122 = tpu.vector_load %arg9[%swap3A] {strides = array<i32>} : memref<1024xf32, #tpu.memory_space<vmem>>, vector<16xf32>,
      tpu.vector_store %arg9[%swap3A], %sub3A_119 {strides = array<i32>} : memref<1024xf32, #tpu.memory_space<vmem>>, vector<16xf32>,
      %mul3A_123 = arith.constant 16 : i32
      %mul3A_124 = arith.muli %scan3A_8, %mul3A_123 : i32
      %swap3A_125 = arith.index_cast %mul3A_124 : i32 to index
      %swap3A_126 = tpu.vector_load %arg8[%swap3A_125] {strides = array<i32>} : memref<1024xi32, #tpu.memory_space<vmem>>, vector<16xi32>,
      tpu.vector_store %arg8[%swap3A_125], %min3A_113 {strides = array<i32>} : memref<1024xi32, #tpu.memory_space<vmem>>, vector<16xi32>,
    }
    %scan3A_7 = arith.constant 64 : i32
    "tpu.region"() ({
      %run_scoped3A = tpu.sem_alloc : memref<!tpu.dma_semaphore, #tpu.memory_space<semaphore_mem>>
      %dma_start3A = arith.constant 0 : i32
      %dma_start3A_8 = tpu.memref_slice %arg4[%add3A, %dma_start3A] : memref<32x1024xi32, #tpu.memory_space<hbm>> -> memref<1x1024xi32, #tpu.memory_space<hbm>>
      %dma_start3A_9 = tpu.memref_squeeze %dma_start3A_8 : memref<1x1024xi32, #tpu.memory_space<hbm>> -> memref<1024xi32, #tpu.memory_space<hbm>>
      %dma_start3A_10 = arith.constant 0 : i32
      %dma_start3A_11 = tpu.memref_slice %arg4[%add3A, %dma_start3A_10] : memref<32x1024xi32, #tpu.memory_space<hbm>> -> memref<1x1024xi32, #tpu.memory_space<hbm>>
      %dma_start3A_12 = tpu.memref_squeeze %dma_start3A_11 : memref<1x1024xi32, #tpu.memory_space<hbm>> -> memref<1024xi32, #tpu.memory_space<hbm>>
      tpu.enqueue_dma source(%arg8 : memref<1024xi32, #tpu.memory_space<vmem>>) target(%dma_start3A_12 : memref<1024xi32, #tpu.memory_space<hbm>>) target_semaphore(%run_scoped3A : memref<!tpu.dma_semaphore, #tpu.memory_space<semaphore_mem>>)
      %dma_wait3A = arith.constant 0 : i32
      %dma_wait3A_13 = tpu.memref_slice %arg4[%add3A, %dma_wait3A] : memref<32x1024xi32, #tpu.memory_space<hbm>> -> memref<1x1024xi32, #tpu.memory_space<hbm>>
      %dma_wait3A_14 = tpu.memref_squeeze %dma_wait3A_13 : memref<1x1024xi32, #tpu.memory_space<hbm>> -> memref<1024xi32, #tpu.memory_space<hbm>>
      %dma_wait3A_15 = arith.constant 0 : i32
      %dma_wait3A_16 = tpu.memref_slice %arg4[%add3A, %dma_wait3A_15] : memref<32x1024xi32, #tpu.memory_space<hbm>> -> memref<1x1024xi32, #tpu.memory_space<hbm>>
      %dma_wait3A_17 = tpu.memref_squeeze %dma_wait3A_16 : memref<1x1024xi32, #tpu.memory_space<hbm>> -> memref<1024xi32, #tpu.memory_space<hbm>>
      tpu.wait_dma2 semaphore(%run_scoped3A : memref<!tpu.dma_semaphore, #tpu.memory_space<semaphore_mem>>) src(%arg8 : memref<1024xi32, #tpu.memory_space<vmem>>) dst(%dma_wait3A_17 : memref<1024xi32, #tpu.memory_space<hbm>>)
      tpu.yield
    }) : () -> ()
    "tpu.region"() ({
      %run_scoped3A = tpu.sem_alloc : memref<!tpu.dma_semaphore, #tpu.memory_space<semaphore_mem>>
      %dma_start3A = arith.constant 0 : i32
      %dma_start3A_8 = tpu.memref_slice %arg5[%add3A, %dma_start3A] : memref<32x1024xf32, #tpu.memory_space<hbm>> -> memref<1x1024xf32, #tpu.memory_space<hbm>>
      %dma_start3A_9 = tpu.memref_squeeze %dma_start3A_8 : memref<1x1024xf32, #tpu.memory_space<hbm>> -> memref<1024xf32, #tpu.memory_space<hbm>>
      %dma_start3A_10 = arith.constant 0 : i32
      %dma_start3A_11 = tpu.memref_slice %arg5[%add3A, %dma_start3A_10] : memref<32x1024xf32, #tpu.memory_space<hbm>> -> memref<1x1024xf32, #tpu.memory_space<hbm>>
      %dma_start3A_12 = tpu.memref_squeeze %dma_start3A_11 : memref<1x1024xf32, #tpu.memory_space<hbm>> -> memref<1024xf32, #tpu.memory_space<hbm>>
      tpu.enqueue_dma source(%arg9 : memref<1024xf32, #tpu.memory_space<vmem>>) target(%dma_start3A_12 : memref<1024xf32, #tpu.memory_space<hbm>>) target_semaphore(%run_scoped3A : memref<!tpu.dma_semaphore, #tpu.memory_space<semaphore_mem>>)
      %dma_wait3A = arith.constant 0 : i32
      %dma_wait3A_13 = tpu.memref_slice %arg5[%add3A, %dma_wait3A] : memref<32x1024xf32, #tpu.memory_space<hbm>> -> memref<1x1024xf32, #tpu.memory_space<hbm>>
      %dma_wait3A_14 = tpu.memref_squeeze %dma_wait3A_13 : memref<1x1024xf32, #tpu.memory_space<hbm>> -> memref<1024xf32, #tpu.memory_space<hbm>>
      %dma_wait3A_15 = arith.constant 0 : i32
      %dma_wait3A_16 = tpu.memref_slice %arg5[%add3A, %dma_wait3A_15] : memref<32x1024xf32, #tpu.memory_space<hbm>> -> memref<1x1024xf32, #tpu.memory_space<hbm>>
      %dma_wait3A_17 = tpu.memref_squeeze %dma_wait3A_16 : memref<1x1024xf32, #tpu.memory_space<hbm>> -> memref<1024xf32, #tpu.memory_space<hbm>>
      tpu.wait_dma2 semaphore(%run_scoped3A : memref<!tpu.dma_semaphore, #tpu.memory_space<semaphore_mem>>) src(%arg9 : memref<1024xf32, #tpu.memory_space<vmem>>) dst(%dma_wait3A_17 : memref<1024xf32, #tpu.memory_space<hbm>>)
      tpu.yield
    }) : () -> ()
    return
  }
}

module attributes {stable_mosaic.version = 14 : i64} {
  func.func @_tc_dense_body(%arg0: i32, %arg1: memref<100x8192xf32, #tpu.memory_space<vmem>>, %arg2: memref<1x1x8192xi32, #tpu.memory_space<vmem>>, %arg3: memref<1x1x8192xf32, #tpu.memory_space<vmem>>, %arg4: memref<1x1x8192xf32, #tpu.memory_space<vmem>>, %arg5: memref<1x1x8192xf32, #tpu.memory_space<vmem>>) attributes {dimension_semantics = [#tpu.dimension_semantics<arbitrary>], iteration_bounds = array<i64: 4>, scalar_prefetch = 0 : i64, scratch_operands = 0 : i64, tpu.core_type = #tpu.core_type<tc>, window_params = [{transform_indices = @transform_0, window_bounds = array<i64: 100, 8192>}, {transform_indices = @transform_1, window_bounds = array<i64: 1, 1, 8192>}, {transform_indices = @transform_2, window_bounds = array<i64: 1, 1, 8192>}, {transform_indices = @transform_3, window_bounds = array<i64: 1, 1, 8192>}, {transform_indices = @transform_4, window_bounds = array<i64: 1, 1, 8192>}]} {
    %get3A = arith.constant 0 : index
    %get3A_0 = arith.constant 0 : index
    %get3A_1 = vector.load %arg1[%get3A, %get3A_0] : memref<100x8192xf32, #tpu.memory_space<vmem>>, vector<100x8192xf32>
    %get3A_2 = arith.constant 0 : index
    %get3A_3 = arith.constant 0 : index
    %get3A_4 = arith.constant 0 : index
    %get3A_5 = vector.load %arg2[%get3A_2, %get3A_3, %get3A_4] : memref<1x1x8192xi32, #tpu.memory_space<vmem>>, vector<1x1x8192xi32>
    %get3A_6 = vector.shape_cast %get3A_5 : vector<1x1x8192xi32> to vector<8192xi32>
    %get3A_7 = arith.constant 0 : index
    %get3A_8 = arith.constant 0 : index
    %get3A_9 = arith.constant 0 : index
    %get3A_10 = vector.load %arg3[%get3A_7, %get3A_8, %get3A_9] : memref<1x1x8192xf32, #tpu.memory_space<vmem>>, vector<1x1x8192xf32>
    %get3A_11 = vector.shape_cast %get3A_10 : vector<1x1x8192xf32> to vector<8192xf32>
    %get3A_12 = arith.constant 0 : index
    %get3A_13 = arith.constant 0 : index
    %get3A_14 = arith.constant 0 : index
    %get3A_15 = vector.load %arg4[%get3A_12, %get3A_13, %get3A_14] : memref<1x1x8192xf32, #tpu.memory_space<vmem>>, vector<1x1x8192xf32>
    %get3A_16 = vector.shape_cast %get3A_15 : vector<1x1x8192xf32> to vector<8192xf32>
    %iota3A = tpu.iota {dimensions = array<i32: 0>} : vector<100x8192xi32>
    %broadcast_in_dim3A = vector.shape_cast %get3A_6 : vector<8192xi32> to vector<1x8192xi32>
    %eq3A = vector.broadcast %broadcast_in_dim3A : vector<1x8192xi32> to vector<100x8192xi32>
    %eq3A_17 = arith.cmpi eq, %iota3A, %eq3A : vector<100x8192xi32>
    %exp3A = math.exp %get3A_1 : vector<100x8192xf32>
    %reduce_sum3A = arith.constant dense<0.000000e+00> : vector<8192xf32>
    %reduce_sum3A_18 = vector.multi_reduction <add>, %exp3A, %reduce_sum3A [0] : vector<100x8192xf32> to vector<8192xf32>
    %jit3A = arith.constant 0.000000e+00 : f32
    %broadcast_in_dim3A_19 = vector.broadcast %jit3A : f32 to vector<100x8192xf32>
    %select_n3A = arith.select %eq3A_17, %get3A_1, %broadcast_in_dim3A_19 : vector<100x8192xi1>, vector<100x8192xf32>
    %reduce_sum3A_20 = arith.constant dense<0.000000e+00> : vector<8192xf32>
    %reduce_sum3A_21 = vector.multi_reduction <add>, %select_n3A, %reduce_sum3A_20 [0] : vector<100x8192xf32> to vector<8192xf32>
    %mul3A = arith.mulf %reduce_sum3A_18, %get3A_16 : vector<8192xf32>
    %log3A = math.log %mul3A : vector<8192xf32>
    %sub3A = arith.subf %log3A, %reduce_sum3A_21 : vector<8192xf32>
    %ne3A = arith.cmpf one, %get3A_11, %get3A_11 : vector<8192xf32>
    %jit3A_22 = arith.constant 0.000000e+00 : f32
    %broadcast_in_dim3A_23 = vector.broadcast %jit3A_22 : f32 to vector<8192xf32>
    %select_n3A_24 = arith.select %ne3A, %broadcast_in_dim3A_23, %sub3A : vector<8192xi1>, vector<8192xf32>
    %swap3A = arith.constant 0 : index
    %swap3A_25 = arith.constant 0 : index
    %swap3A_26 = arith.constant 0 : index
    %swap3A_27 = vector.load %arg5[%swap3A, %swap3A_25, %swap3A_26] : memref<1x1x8192xf32, #tpu.memory_space<vmem>>, vector<1x1x8192xf32>
    %swap3A_28 = vector.shape_cast %swap3A_27 : vector<1x1x8192xf32> to vector<8192xf32>
    %swap3A_29 = vector.shape_cast %select_n3A_24 : vector<8192xf32> to vector<1x1x8192xf32>
    tpu.vector_store %arg5[%swap3A, %swap3A_25, %swap3A_26], %swap3A_29 {strides = array<i32>} : memref<1x1x8192xf32, #tpu.memory_space<vmem>>, vector<1x1x8192xf32>,
    return
  }
  func.func @transform_0(%arg0: i32) -> (i32, i32) {
    %c0_i32 = arith.constant 0 : i32
    %c0_i32_0 = arith.constant 0 : i32
    return %c0_i32, %arg0 : i32, i32
  }
  func.func @transform_1(%arg0: i32) -> (i32, i32, i32) {
    %c0_i32 = arith.constant 0 : i32
    %c0_i32_0 = arith.constant 0 : i32
    %c0_i32_1 = arith.constant 0 : i32
    return %arg0, %c0_i32, %c0_i32_0 : i32, i32, i32
  }
  func.func @transform_2(%arg0: i32) -> (i32, i32, i32) {
    %c0_i32 = arith.constant 0 : i32
    %c0_i32_0 = arith.constant 0 : i32
    %c0_i32_1 = arith.constant 0 : i32
    return %arg0, %c0_i32, %c0_i32_0 : i32, i32, i32
  }
  func.func @transform_3(%arg0: i32) -> (i32, i32, i32) {
    %c0_i32 = arith.constant 0 : i32
    %c0_i32_0 = arith.constant 0 : i32
    %c0_i32_1 = arith.constant 0 : i32
    return %arg0, %c0_i32, %c0_i32_0 : i32, i32, i32
  }
  func.func @transform_4(%arg0: i32) -> (i32, i32, i32) {
    %c0_i32 = arith.constant 0 : i32
    %c0_i32_0 = arith.constant 0 : i32
    %c0_i32_1 = arith.constant 0 : i32
    return %arg0, %c0_i32, %c0_i32_0 : i32, i32, i32
  }
}

</mosaic_0001>

<sc_bundles>
// kernel: kernel.4.cloned.1.call-start
scs
__scs_entry_jumppad:
0x0: {  	(pc) =	sbr.rel $0x88, $3  }
0x1: {  	(tag) =	ssettag $0x0;
	lr =	simm.s32 $0x1  }
0x2: {  	[smem:$0x3F9E] =	sst lr;
	_ =	strace $0xD0000000  }
0x3: {  	_ = 	snop  }
0x4: {  	_ = 	snop  }
0x5: {  	_ = 	snop  }
0x6: {  	_ = 	snop  }
0x7: {  	_ = 	snop  }
__scs_overlays_trampoline_lowered:
0x8: {  	[smem:$0x3FAD] =	sst s0  }
0x9: {  	[smem:$0x3FAE] =	sst s1  }
0xa: {  	[smem:$0x3FAF] =	sst s2  }
0xb: {  	[smem:$0x3FB0] =	sst s3  }
0xc: {  	[smem:$0x3FB1] =	sst s4  }
0xd: {  	[smem:$0x3FB2] =	sst s5  }
0xe: {  	[smem:$0x3FB3] =	sst s6  }
0xf: {  	[smem:$0x3FB4] =	sst s7  }
0x10: {  	[smem:$0x3FB5] =	sst s8  }
0x11: {  	[smem:$0x3FB6] =	sst s9;
	s0 =	simm.s32 @!p0 $0x0  }
0x12: {  	s1 =	sld [smem:$0x3F9C];
	s0 =	simm.s32 @p0 $0x1  }
0x13: {  	[smem:$0x3FB7] =	sst s0;
	s0 =	simm.s32 @!p1 $0x0  }
0x14: {  	s2 =	sld [smem:$0x3F9B];
	s0 =	simm.s32 @p1 $0x1  }
0x15: {  	[smem:$0x3FB8] =	sst s0;
	s0 =	simm.s32 @!p2 $0x0  }
0x16: {  	s3 =	sld [smem:$0x3FDB];
	s0 =	simm.s32 @p2 $0x1  }
0x17: {  	s4 =	simm.s32 $0x1BF5;
	[smem:$0x3FBA] =	sst s0  }
0x18: {  	s0 =	sld [smem:$0x3F9D];
	_ =	swait.ge [sflag:s4], $0x0  }
0x19: {  	s7 =	sld [smem:$0x3F9E]  }
0x1a: {  	s8 =	sadd.s32 $0xFFFFE003, lr  }
0x1b: {  	s9 =	sadd.s32 $0xFFFFFEF7, lr;
	s5 =	simm.s32 $0xFFFFFFFF;
	p2 =	slt.u32 s8, $0xFFFFF086  }
0x1c: {  	p1 =	slt.u32 s9, $0xF7A;
	s5 =	simm.s32 @!p2 $0x0  }
0x1d: {  	s5 =	simm.s32 @p1 $0x1;
	p0 =	seq.s32 s7, s2  }
0x1e: {  	s7 =	smul.u32 @!p0 $0xF7A, s2;
	p2 =	seq.s32 @!p0 s5, $0x0  }
0x1f: {  	s9 =	smul.u32 $0xF7A, s1;
	s8 =	simm.s32 @!p0 $0x1BF5;
	p2 =	por !p2, p0  }
0x20: {  	[sflag:s8] =	ssyncset.s32 @!p0 $0xFFFFF086;
	s6 =	sadd.s32 @!p0 s3, s7;
	s7 =	simm.s32 @!p0 $0x108  }
0x21: {  	s3 =	sadd.s32 s3, s9;
	s6 =	sadd.s32 @!p0 $0x88, s6;
	s7 =	simm.s32 @p2 $0x1082  }
0x22: {  	[simem:s7], [sflag:s8] =	dma.local @!p0 [hbm:s6], $0xF7A  }
0x23: {  	s9 =	sor.u32 $0xD0000000, s2;
	s6 =	simm.s32 $0x108;
	_ =	swait.ge @!p0 [sflag:s8], $0x0  }
0x24: {  	s3 =	sadd.s32 $0x88, s3;
	s6 =	simm.s32 @!p1 $0x1082;
	[sflag:s4] =	ssyncset.s32 $0xFFFFF086  }
0x25: {  	[simem:s6], [sflag:s4] =	dma.local [hbm:s3], $0xF7A  }
0x26: {  	[smem:$0x3F9E] =	sst s1;
	(tag) =	ssettag s2;
	_ =	strace s9  }
0x27: {  	s1 =	sld [smem:$0x3FAE]  }
0x28: {  	s2 =	sld [smem:$0x3FAF]  }
0x29: {  	s4 =	sld [smem:$0x3FB1]  }
0x2a: {  	p0 =	seq.s32 s5, $0x0;
	s5 =	sld [smem:$0x3FB2]  }
0x2b: {  	s6 =	sld [smem:$0x3FB3]  }
0x2c: {  	s7 =	sld [smem:$0x3FB4]  }
0x2d: {  	s3 =	simm.s32 $0x108;
	s8 =	sld [smem:$0x3FB5]  }
0x2e: {  	s3 =	simm.s32 @!p0 $0x1082;
	s9 =	sld [smem:$0x3FB6]  }
0x2f: {  	lr =	sadd.s32 s0, s3;
	s0 =	sld [smem:$0x3FAD]  }
0x30: {  	s3 =	sld [smem:$0x3FB0]  }
0x31: {  	[smem:$0x3FB9] =	sst s10  }
0x32: {  	s10 =	sld [smem:$0x3FB7];
	_ =	sdelay $0x3  }
0x33: {  	p0 =	seq.s32 s10, $0x1;
	s10 =	sld [smem:$0x3FB9];
	_ =	sdelay $0x3  }
0x34: {  	[smem:$0x3FB9] =	sst s10  }
0x35: {  	s10 =	sld [smem:$0x3FB8];
	_ =	sdelay $0x3  }
0x36: {  	p1 =	seq.s32 s10, $0x1;
	s10 =	sld [smem:$0x3FB9];
	_ =	sdelay $0x3  }
0x37: {  	[smem:$0x3FB9] =	sst s10  }
0x38: {  	s10 =	sld [smem:$0x3FBA]  }
0x39: {  	_ = 	snop;
	(pc) =	sbr.ind lr, $3  }
0x3a: {  	_ = 	snop  }
0x3b: {  	_ = 	snop  }
0x3c: {  	p2 =	seq.s32 s10, $0x1;
	s10 =	sld [smem:$0x3FB9]  }
0x3d: {  	_ =	shalt  }
0x3e: {  	_ =	shalt  }
0x3f: {  	_ =	shalt  }
0x40: {  	_ =	shalt  }
0x41: {  	_ =	shalt  }
0x42: {  	_ =	shalt  }
0x43: {  	_ =	shalt  }
0x44: {  	_ =	shalt  }
0x45: {  	_ =	shalt  }
0x46: {  	_ =	shalt  }
0x47: {  	_ =	shalt  }
0x48: {  	_ =	shalt  }
0x49: {  	_ =	shalt  }
0x4a: {  	_ =	shalt  }
0x4b: {  	_ =	shalt  }
0x4c: {  	_ =	shalt  }
0x4d: {  	_ =	shalt  }
0x4e: {  	_ =	shalt  }
0x4f: {  	_ =	shalt  }
0x50: {  	_ =	shalt  }
0x51: {  	_ =	shalt  }
0x52: {  	_ =	shalt  }
0x53: {  	_ =	shalt  }
0x54: {  	_ =	shalt  }
0x55: {  	_ =	shalt  }
0x56: {  	_ =	shalt  }
0x57: {  	_ =	shalt  }
0x58: {  	_ =	shalt  }
0x59: {  	_ =	shalt  }
0x5a: {  	_ =	shalt  }
0x5b: {  	_ =	shalt  }
0x5c: {  	_ =	shalt  }
0x5d: {  	_ =	shalt  }
0x5e: {  	_ =	shalt  }
0x5f: {  	_ =	shalt  }
0x60: {  	_ =	shalt  }
0x61: {  	_ =	shalt  }
0x62: {  	_ =	shalt  }
0x63: {  	_ =	shalt  }
0x64: {  	_ =	shalt  }
0x65: {  	_ =	shalt  }
0x66: {  	_ =	shalt  }
0x67: {  	_ =	shalt  }
0x68: {  	_ =	shalt  }
0x69: {  	_ =	shalt  }
0x6a: {  	_ =	shalt  }
0x6b: {  	_ =	shalt  }
0x6c: {  	_ =	shalt  }
0x6d: {  	_ =	shalt  }
0x6e: {  	_ =	shalt  }
0x6f: {  	_ =	shalt  }
0x70: {  	_ =	shalt  }
0x71: {  	_ =	shalt  }
0x72: {  	_ =	shalt  }
0x73: {  	_ =	shalt  }
0x74: {  	_ =	shalt  }
0x75: {  	_ =	shalt  }
0x76: {  	_ =	shalt  }
0x77: {  	_ =	shalt  }
0x78: {  	_ =	shalt  }
0x79: {  	_ =	shalt  }
0x7a: {  	_ =	shalt  }
0x7b: {  	_ =	shalt  }
0x7c: {  	_ =	shalt  }
0x7d: {  	_ =	shalt  }
0x7e: {  	_ =	shalt  }
0x7f: {  	_ =	shalt  }
0x80: {  	_ =	shalt  }
0x81: {  	_ =	shalt  }
0x82: {  	_ =	shalt  }
0x83: {  	_ =	shalt  }
0x84: {  	_ =	shalt  }
0x85: {  	_ =	shalt  }
0x86: {  	_ =	shalt  }
0x87: {  	_ =	shalt  }
.Lfunc_end0:
.L_simem_size_0:
called_computation_lowered:
.L_overlay_start_0:
0x88: {  	s2 =	sld [smem:$0x3FD9]  }
0x89: {  	s3 =	sld [smem:$0x3FFE];
	_ =	sdelay $0x1  }
0x8a: {  	s1 =	srdreg.scid  }
0x8b: {  	s0 =	sand.u32 $0x1, s1  }
0x8c: {  	s17 =	sshll.u32 s0, $0xA;
	s2 =	sadd.s32 s3, s2  }
0x8d: {  	s2 =	sadd.s32 s2, s17  }
0x8e: {  	[smem:$0x3FC5] =	sst s2  }
0x8f: {  	_ = 	snop  }
0x90: {  	s2 =	sld [smem:$0x3FC7]  }
0x91: {  	s18 =	sld [smem:$0x3FD0];
	(tm) =	ssettm $0x1  }
0x92: {  	s4 =	sld [smem:$0x3FFB];
	_ =	sdelay $0x3  }
0x93: {  	_ =	strace s4  }
0x94: {  	s4 =	sld [smem:$0x3FFC];
	_ =	sdelay $0x3  }
0x95: {  	_ =	strace s4  }
0x96: {  	s4 =	sld [smem:$0x3FFD];
	_ =	sdelay $0x3  }
0x97: {  	_ =	strace s4  }
0x98: {  	_ =	strace $0x8FFFFFFF  }
0x99: {  	s19 =	sld [smem:$0x3FDB];
	_ =	sdelay $0x1  }
0x9a: {  	s5 =	simm.s32 $_scs_section_size  }
0x9b: {  	s6 =	simm.s32 $_size__tile_overlayer_lowered;
	s7 =	simm.s32 $_tile_overlayer_lowered  }
0x9c: {  	s22 =	simm.s32 $0x1BFF;
	s21 =	sshll.u32 s7, $0x1;
	s4 =	sadd.s32 s5, s19  }
0x9d: {  	s8 =	simm.s32 $0x0;
	s20 =	sshll.u32 s6, $0x1;
	s6 =	sadd.s32 s21, s4  }
0x9e: {  	[timem:s8], [sflag:s22] =	dma.local [hbm:s6], s20  }
0x9f: {  	_ =	swait.ge [sflag:s22], s20  }
0xa0: {  	s5 =	ssub.s32 $0x0, s20;
	[sflag:s22] =	ssyncset.done $0x0  }
0xa1: {  	[sflag:s22] =	ssyncadd.s32 s5;
	_ =	sdelay $0x1  }
0xa2: {  	s23 =	simm.s32 $0x1B8B  }
0xa3: {  	_ =	swait.ge [sflag:s23], $0x1  }
0xa4: {  	[sflag:s23] =	ssyncset.done $0x0  }
0xa5: {  	s25 =	simm.s32 $0x1B8E;
	s24 =	sld [smem:$0x3FFE];
	[sflag:s23] =	ssyncadd.s32 $0xFFFFFFFF  }
0xa6: {  	s26 =	simm.s32 $execute0_lowered;
	[smem:$0x3FD2] =	sst s25  }
0xa7: {  	s6 =	sshll.u32 s26, $0x1;
	_ =	strace $0x80000046;
	[dreg:$0x1] =	wrdreg $0xFFFFFFFF  }
0xa8: {  	s28 =	simm.s32 $_size_execute0_lowered;
	s4 =	sadd.s32 s4, s6;
	[dreg:$0x0] =	wrdreg $0x0  }
0xa9: {  	s6 =	sshll.u32 s28, $0x1;
	[dreg:$0x2] =	wrdreg s4  }
0xaa: {  	[dreg:$0x3] =	wrdreg s6  }
0xab: {  	[dreg:$0x4] =	wrdreg $0xC0  }
0xac: {  	_ =	task [dreg:s8], $0x5FFFF  }
0xad: {  	[dreg:$0x1] =	wrdreg $0xFFFFFFFF  }
0xae: {  	[dreg:$0x0] =	wrdreg $0x60  }
0xaf: {  	[dreg:$0x2] =	wrdreg s18  }
0xb0: {  	[dreg:$0x3] =	wrdreg s2  }
0xb1: {  	[dreg:$0x4] =	wrdreg s24  }
0xb2: {  	[dreg:$0x5] =	wrdreg $0x9  }
0xb3: {  	_ =	task.clear_ibuf [dreg:s8], $0x6FFFF;
	_ =	strace $0x90000046  }
0xb4: {  	s29 =	simm.s32 $0x9;
	_ =	strace $0x80000048  }
0xb5: {  	_ =	swait.ge [sflag:s29], $0x1  }
0xb6: {  	[sflag:s29] =	ssyncadd.s32 $0xFFFFFFFF  }
0xb7: {  	_ =	strace $0x90000048  }
0xb8: {  	_ =	sfence  }
0xb9: {  	s30 =	sld [smem:$0x0];
	_ =	sdelay $0x2  }
0xba: {  	s31 =	sshll.u32 s1, $0xD;
	s1 =	sshrl.u32 s1, $0x2  }
0xbb: {  	s3 =	sand.u32 $0x4000, s31;
	s1 =	sadd.s32 s1, s30  }
0xbc: {  	s0 =	sor.u32 s3, s0;
	s1 =	sshll.u32 s1, $0x11  }
0xbd: {  	s0 =	sor.u32 s1, s0  }
0xbe: {  	s0 =	sadd.s32 $0x8F2B, s0  }
0xbf: {  	[sflag:s0] =	ssyncadd.remote.s32 $0x1  }
0xc0: {  	_ =	sfence.sel $0xFFFF  }
0xc1: {  	[dreg:$0x0] =	wrdreg $0xFFFFFFFF;
	(pc) =	sbr.abs _section_cstart, $3  }
0xc2: {  	[dreg:$0x1] =	wrdreg $0xFFFFFFFF  }
0xc3: {  	_ =	task.clear_ibuf [dreg:s8], $0x2FFFF;
	_ =	strace $0x9FFFFFFF  }
0xc4: {  	(tm) =	ssettm $0x7FFFFFFF  }
0xc5: {  	_ =	shalt  }
tec
execute0_lowered:
.L_overlay_start_1:
0x0: {  	(tag) =	ssettag $0x1  }
0x1: {  	s4 =	rddreg [dreg:$0x0]  }
0x2: {  	s1 =	rddreg [dreg:$0x1]  }
0x3: {  	s5 =	rddreg [dreg:$0x2]  }
0x4: {  	s0 =	rddreg [dreg:$0x3];
	s6 =	srdreg.scid  }
0x5: {  	s3 =	simm.s32 $0x0;
	s2 =	stileid.u32;
	s10 =	simm.s32 $0x480  }
0x6: {  	s11 =	simm.s32 $0x880;
	s12 =	simm.s32 $0x0;
	s6 =	sand.u32 $0x1, s6  }
0x7: {  	v0 =	vimm.s32 $0x32;
	s7 =	sshll.u32 s2, $0x8;
	s8 =	sshll.u32 s6, $0x7;
	s6 =	ssub.s32 $0x2, s6  }
0x8: {  	[smem:$0x7FF] =	sst s3;
	s7 =	sor.u32 s8, s7;
	s31 =	sshrl.u32 s6, $0x1  }
0x9: {  	_ =	strace $0x80000047;
	s9 =	sadd.s32 s7, s5;
	s8 =	ssub.s32 s6, s31  }
0xa: {  	s4 =	sadd.s32 s4, s7;
	s5 =	sadd.s32 $0xC00, s9;
	s6 =	sadd.s32 $0x1C00, s9  }
0xb: {  	v1 =	vimm.s32 $0x0;
	v2 =	vimm.s32 $0x19;
	v3 =	vimm.s32 $0x1;
	s7 =	smax.u32 s8, $0x1;
	s8 =	simm.s32 $0x1;
	s9 =	simm.s32 $0x400  }
.LBB2_1:
0xc: {  	[tilespmem:s3], [sflag:$0x1] =	stream.linear.gather [hbm4b:s4+s3], $0x400, $0x38;
	[tilespmem:$0xC80] =	vst v63  }
0xd: {  	_ =	swait.ge [sflag:s8], $0x400  }
0xe: {  	[sflag:s8] =	ssyncset.done $0x0  }
0xf: {  	[sflag:s8] =	ssyncadd.s32 $0xFFFFFC00  }
0x10: {  	[tilespmem:s9], [sflag:$0x1] =	stream.linear.gather [hbm4b:s1+s3], $0x65, $0x38;
	[tilespmem:$0xC80] =	vst v63  }
0x11: {  	_ =	swait.ge [sflag:s8], $0x65  }
0x12: {  	[sflag:s8] =	ssyncset.done $0x0  }
0x13: {  	s13 =	simm.s32 $0x0;
	[sflag:s8] =	ssyncadd.s32 $0xFFFFFF9B  }
.LBB2_2:
0x14: {  	s14 =	sshra.s32 s13, $0x2;
	v5 =	vld.idx.msk [tilespmem:v0+s9+$0x0], $0xffff  }
0x15: {  	v4 =	vld [tilespmem:s14+$0x0];
	_ =	sdelay $0x4  }
0x16: {  	vm0 =	vlt.f32 v5, v4  }
0x17: {  	v5 =	vsel vm0, $0x4C, v2;
	_ =	sdelay $0x4  }
0x18: {  	v6 =	vld.idx.msk [tilespmem:v5+s9+$0x0], $0xffff;
	_ =	sdelay $0x4  }
0x19: {  	v7 =	vsel vm0, $0x65, v0;
	vm1 =	vlt.f32 v6, v4  }
0x1a: {  	v55 =	vsel vm0, $0x33, v1;
	v8 =	vadd.s32 $0x1, v5;
	v5 =	vsel vm1, v7, v5  }
0x1b: {  	v6 =	vsel vm1, v8, v55;
	v7 =	vadd.s32 $0xFFFFFFFF, v5  }
0x1c: {  	v8 =	vxor.u32 v7, v6  }
0x1d: {  	v7 =	vor.u32 v7, v6;
	v8 =	vshrl.u32 v8, $0x1  }
0x1e: {  	v7 =	vsub.s32 v7, v8;
	_ =	sdelay $0x4  }
0x1f: {  	v8 =	vld.idx.msk [tilespmem:v7+s9+$0x0], $0xffff;
	_ =	sdelay $0x4  }
0x20: {  	v56 =	vadd.s32 $0x1, v7;
	vm11 =	vlt.f32 v8, v4  }
0x21: {  	v6 =	vsel vm11, v56, v6;
	v5 =	vsel vm11, v5, v7  }
0x22: {  	v7 =	vxor.u32 v5, v6  }
0x23: {  	v8 =	vand.u32 v5, v6;
	v7 =	vshrl.u32 v7, $0x1  }
0x24: {  	v7 =	vadd.s32 v7, v8;
	_ =	sdelay $0x4  }
0x25: {  	v8 =	vld.idx.msk [tilespmem:v7+s9+$0x0], $0xffff;
	_ =	sdelay $0x4  }
0x26: {  	v57 =	vadd.s32 $0x1, v7;
	vm12 =	vlt.f32 v8, v4  }
0x27: {  	v6 =	vsel vm12, v57, v6;
	v5 =	vsel vm12, v5, v7  }
0x28: {  	v7 =	vadd.s32 v5, v6  }
0x29: {  	v7 =	vshrl.u32 v7, $0x1;
	_ =	sdelay $0x4  }
0x2a: {  	v58 =	vld.idx.msk [tilespmem:v7+s9+$0x0], $0xffff;
	_ =	sdelay $0x4  }
0x2b: {  	v59 =	vadd.s32 $0x1, v7;
	vm13 =	vlt.f32 v58, v4  }
0x2c: {  	v6 =	vsel vm13, v59, v6;
	v5 =	vsel vm13, v5, v7  }
0x2d: {  	v7 =	vadd.s32 v5, v6  }
0x2e: {  	v7 =	vshrl.u32 v7, $0x1;
	_ =	sdelay $0x4  }
0x2f: {  	v60 =	vld.idx.msk [tilespmem:v7+s9+$0x0], $0xffff;
	_ =	sdelay $0x4  }
0x30: {  	v61 =	vadd.s32 $0x1, v7;
	vm14 =	vlt.f32 v60, v4  }
0x31: {  	v6 =	vsel vm14, v61, v6;
	v5 =	vsel vm14, v5, v7  }
0x32: {  	v5 =	vadd.s32 v5, v6  }
0x33: {  	v5 =	vshrl.u32 v5, $0x1  }
0x34: {  	v5 =	vmin.u32 v5, $0x64;
	_ =	sdelay $0x4  }
0x35: {  	v62 =	vld.idx.msk [tilespmem:v5+s9+$0x0], $0xffff;
	_ =	sdelay $0x3  }
0x36: {  	v6 =	vmax.u32 v6, $0x1  }
0x37: {  	vm15 =	vlt.f32 v62, v4;
	v4 =	vsub.s32 v6, v3  }
0x38: {  	v4 =	vsel vm15, v5, v4  }
0x39: {  	v4 =	vmin.u32 v4, $0x63  }
0x3a: {  	v5 =	vadd.s32 $0x1, v4;
	_ =	sdelay $0x3  }
0x3b: {  	v63 =	vld.idx.msk [tilespmem:v4+s9+$0x0], $0xffff  }
0x3c: {  	v5 =	vld.idx.msk [tilespmem:v5+s9+$0x0], $0xffff;
	_ =	sdelay $0x1  }
0x3d: {  	p0 =	sne.s32 s13, $0xFC0  }
.Ltmp0:
0x3e: {  	_ = 	snop;
	(pc) =	sbr.rel @p0 .LBB2_2-.Ltmp0, $4  }
0x3f: {  	_ = 	snop  }
0x40: {  	v5 =	vsub.f32 v5, v63  }
0x41: {  	[tilespmem:s14+$0x480] =	vst v4  }
0x42: {  	s13 =	sadd.s32 $0x40, s13;
	[tilespmem:s14+$0x880] =	vst v5  }
0x43: {  	[hbm4b:s5+s3] =	stream.linear.scatter [tilespmem:s10], [sflag:$0x1], $0x400, $0x38;
	[tilespmem:$0xC80] =	vst v63  }
0x44: {  	s12 =	sadd.s32 $0x1, s12;
	_ =	swait.ge [sflag:s8], $0x400  }
0x45: {  	p0 =	sne.s32 s12, s7;
	[sflag:s8] =	ssyncset.done $0x0  }
.Ltmp1:
0x46: {  	[sflag:s8] =	ssyncadd.s32 $0xFFFFFC00;
	(pc) =	sbr.rel @p0 .LBB2_1-.Ltmp1, $4  }
0x47: {  	[hbm4b:s6+s3] =	stream.linear.scatter [tilespmem:s11], [sflag:$0x1], $0x400, $0x38;
	[tilespmem:$0xC80] =	vst v63  }
0x48: {  	_ =	swait.ge [sflag:s8], $0x400  }
0x49: {  	[sflag:s8] =	ssyncset.done $0x0  }
0x4a: {  	[sflag:s8] =	ssyncadd.s32 $0xFFFFFC00  }
0x4b: {  	_ =	sfence.sel $0x180000  }
0x4c: {  	[bflag:$0x0] =	sbarrier.arrive $0xFFFF  }
0x4d: {  	p0 =	sne.s32 s2, $0x0;
	_ =	strace $0x90000047  }
0x4e: {  	s0 =	sadd.s32 @!p0 $0x100000, s0;
	[bflag:$0x2] =	sbarrier.arrive $0xFFFF  }
0x4f: {  	[sflag:s0] =	ssyncadd.tile.s32 @!p0 $0x1;
	_ =	shalt  }
.Lfunc_end2:
_tile_overlayer_lowered:
.L_overlay_start_2:
0x50: {  	(tag) =	ssettag $0x2  }
0x51: {  	s0 =	rddreg [dreg:$0x0];
	s2 =	stileid.u32  }
0x52: {  	s1 =	rddreg [dreg:$0x1];
	p0 =	sne.s32 s2, $0x0  }
0x53: {  	s3 =	rddreg [dreg:$0x2];
	[bflag:$0x3] =	sbarrier.arrive $0xFFFF;
	s2 =	simm.s32 @!p0 $0x1C01  }
0x54: {  	[timem:s3], [sflag:s2] =	dma.local @!p0 [hbm:s0], s1  }
0x55: {  	s0 =	simm.s32 @!p0 $0x1  }
0x56: {  	_ =	swait.ge @!p0 [sflag:s0], s1  }
0x57: {  	s1 =	ssub.s32 @!p0 $0x0, s1;
	[sflag:s0] =	ssyncset.done @!p0 $0x0  }
0x58: {  	[sflag:s0] =	ssyncadd.s32 @!p0 s1  }
0x59: {  	[bflag:$0x3] =	sbarrier.arrive $0xFFFF  }
0x5a: {  	_ =	shalt  }

</sc_bundles>
